<compile_context>
chip_gen: v7x
topology: tpu7x:2x2x1
jax: 0.10.2.dev20260603
libtpu: 0.0.44.dev20260713+nightly
codegen_flags: <defaults>
</compile_context>

<pallas_src>
import functools

import jax
import jax.numpy as jnp
from jax import lax
from jax.experimental import pallas as pl
from jax.experimental.pallas import tpu as pltpu
from jax.experimental.pallas import tpu_sc as plsc

_K = 128
_HN = 512
_BMM = 1024
_BM = 64
_BISECT_ITERS = 20


def _matmul_body(x_ref, w_ref, b_ref, h_ref):
    i = pl.program_id(1)
    bmm = h_ref.shape[0]
    xb = x_ref[pl.ds(i * bmm, bmm), :]
    z = jax.lax.dot_general(
        xb, w_ref[...], (((1,), (1,)), ((), ())),
        preferred_element_type=jnp.float32,
        precision=jax.lax.Precision.DEFAULT,
    )
    z = z + b_ref[...]
    h_ref[...] = 1.0 / (1.0 + jnp.exp(-z))



_NC = 2
_NS = 16
_NBUCKET = 1024
_CAND_CAP = 1024


def _sc_select_body(h_hbm, thr_hbm, row_v, hist_v, cand_v, thr_v):
    nw = _NC * _NS
    b, dh = h_hbm.shape
    rows_per = b // nw
    ngrp = dh // 16
    wid = lax.axis_index("s") * _NC + lax.axis_index("c")
    kf = jnp.float32(_K)
    zeros16 = jnp.zeros((16,), jnp.float32)
    ones16 = jnp.ones((16,), jnp.float32)
    iota16 = lax.iota(jnp.int32, 16)
    iota16f = iota16.astype(jnp.float32)

    def row_body(r, thr_stage):
        row = wid * rows_per + r
        pltpu.sync_copy(h_hbm.at[row], row_v)

        def z_body(g, _):
            hist_v[pl.ds(g * 16, 16)] = zeros16
            return 0
        lax.fori_loop(0, _NBUCKET // 16, z_body, 0)

        def h_body(j, _):
            v = row_v[pl.ds(j * 16, 16)]
            bk = lax.shift_right_logical(plsc.bitcast(v, jnp.int32), 20)
            plsc.addupdate_scatter(hist_v, [bk], ones16)
            return 0
        lax.fori_loop(0, ngrp, h_body, 0)

        def s_body(g, carry):
            cum, bstar_acc, cabove_acc = carry
            gi = _NBUCKET // 16 - 1 - g
            grp = hist_v[pl.ds(gi * 16, 16)]
            rev = lax.rev(grp, (0,))
            cs = plsc.cumsum(rev) + cum
            csprev = cs - rev
            is_k = jnp.logical_and(cs >= kf, csprev < kf)
            ids_desc = jnp.float32(gi * 16 + 15) - iota16f
            bstar_acc = bstar_acc + jnp.where(is_k, ids_desc, 0.0)
            cabove_acc = cabove_acc + jnp.where(is_k, csprev, 0.0)
            return cum + jnp.sum(grp), bstar_acc, cabove_acc
        _, bstar_v16, cabove_v16 = lax.fori_loop(
            0, _NBUCKET // 16, s_body, (jnp.float32(0.0), zeros16, zeros16))
        bstar = jnp.sum(bstar_v16).astype(jnp.int32)
        cabove = jnp.sum(cabove_v16)

        def c_body(j, off):
            v = row_v[pl.ds(j * 16, 16)]
            bits = plsc.bitcast(v, jnp.int32)
            m = lax.shift_right_logical(bits, 20) == bstar
            off_use = jnp.minimum(off, _CAND_CAP - 16)
            plsc.store_compressed(cand_v.at[pl.ds(off_use, 16)], bits, mask=m)
            n = jnp.max(plsc.all_reduce_population_count(m))
            return off + n
        noff = lax.fori_loop(0, ngrp, c_body, jnp.int32(0))
        noff = jnp.minimum(noff, _CAND_CAP)
        nv = (noff + 15) // 16

        def bit_body(t, prefix):
            cand_t = prefix | lax.shift_left(jnp.int32(1), 19 - t)

            def cnt_body(u, acc):
                cb = cand_v[pl.ds(u * 16, 16)]
                valid = (u * 16 + iota16) < noff
                hit = jnp.logical_and(valid, cb >= cand_t)
                return acc + jnp.sum(jnp.where(hit, 1.0, 0.0))
            cnt = lax.fori_loop(0, nv, cnt_body, cabove)
            return jnp.where(cnt >= kf, cand_t, prefix)
        thr_bits = lax.fori_loop(
            0, 20, bit_body, lax.shift_left(bstar, 20))
        thr = plsc.bitcast(jnp.broadcast_to(thr_bits, (16,)), jnp.float32)

        lane = lax.rem(r, 16)
        thr_stage = jnp.where(iota16 == lane, thr, thr_stage)

        @pl.when(lane == 15)
        def _():
            thr_v[pl.ds((r // 16) * 16, 16)] = thr_stage
        return thr_stage

    lax.fori_loop(0, rows_per, row_body, zeros16)
    pltpu.sync_copy(thr_v, thr_hbm.at[pl.ds(wid * rows_per, rows_per)])


def _sc_select(hidden):
    b, dh = hidden.shape
    rows_per = b // (_NC * _NS)
    return pl.kernel(
        _sc_select_body,
        out_type=jax.ShapeDtypeStruct((b,), jnp.float32),
        mesh=plsc.VectorSubcoreMesh(
            core_axis_name="c", subcore_axis_name="s",
            num_cores=_NC, num_subcores=_NS),
        scratch_types=[
            pltpu.VMEM((dh,), jnp.float32),
            pltpu.VMEM((_NBUCKET,), jnp.float32),
            pltpu.VMEM((_CAND_CAP,), jnp.int32),
            pltpu.VMEM((rows_per,), jnp.float32),
        ],
        compiler_params=pltpu.CompilerParams(needs_layout_passes=False),
    )(hidden)


def _mask_body(h_ref, t_ref, o_ref):
    h = h_ref[...]
    o_ref[...] = jnp.where(h >= t_ref[...], h, 0.0)


def _select_body(h_ref, o_ref):
    h = h_ref[...]
    bm, dh = h.shape
    kf = jnp.float32(_K)

    def it(_, lohi):
        lo, hi = lohi
        mid = 0.5 * (lo + hi)
        cnt = jnp.sum((h >= mid).astype(jnp.float32), axis=1, keepdims=True)
        big = cnt >= kf
        return jnp.where(big, mid, lo), jnp.where(big, hi, mid)

    m = h
    while m.shape[1] > _K:
        s = m.shape[1] // 2
        m = jnp.maximum(m[:, :s], m[:, s:])
    t1 = jnp.min(m, axis=1, keepdims=True)
    gm = jnp.max(m, axis=1, keepdims=True) + jnp.float32(2.0 ** -18)

    lo, _ = jax.lax.fori_loop(0, _BISECT_ITERS, it, (t1, gm))
    o_ref[...] = jnp.where(h >= lo, h, 0.0)


def kernel(x, W, b):
    B, DIN = x.shape
    DH = W.shape[0]
    hn = min(_HN, DH)
    bmm = min(_BMM, B)
    bm = min(_BM, B)
    b2 = b.reshape(1, DH)

    hidden = pl.pallas_call(
        _matmul_body,
        grid=(DH // hn, B // bmm),
        in_specs=[
            pl.BlockSpec((B, DIN), lambda j, i: (0, 0)),
            pl.BlockSpec((hn, DIN), lambda j, i: (j, 0)),
            pl.BlockSpec((1, hn), lambda j, i: (0, j)),
        ],
        out_specs=pl.BlockSpec((bmm, hn), lambda j, i: (i, j)),
        out_shape=jax.ShapeDtypeStruct((B, DH), jnp.float32),
        compiler_params=pltpu.CompilerParams(
            dimension_semantics=("arbitrary", "arbitrary"),
            vmem_limit_bytes=60 * 1024 * 1024,
        ),
    )(x, W, b2)

    thr = _sc_select(hidden)

    out = pl.pallas_call(
        _mask_body,
        grid=(B // bm,),
        in_specs=[
            pl.BlockSpec((bm, DH), lambda i: (i, 0)),
            pl.BlockSpec((bm, 1), lambda i: (i, 0)),
        ],
        out_specs=pl.BlockSpec((bm, DH), lambda i: (i, 0)),
        out_shape=jax.ShapeDtypeStruct((B, DH), jnp.float32),
        input_output_aliases={0: 0},
        compiler_params=pltpu.CompilerParams(
            dimension_semantics=("parallel",),
            vmem_limit_bytes=60 * 1024 * 1024,
        ),
    )(hidden, thr.reshape(B, 1))
    return out

# --- scband reference (transcript-rebuilt; emitter-appended) ---
"""Pipeline reference for scband-sae-encoder-90194313216192 (READ-ONLY COPY).

The authoritative reference and input builder live on the scoring server;
editing this copy changes nothing except your own understanding.
"""

import jax, jax.numpy as jnp
import numpy as np

B = 4096
D_IN = 2048
D_HID = 32768
K = 128


def setup_inputs(seed: int = 0) -> dict:
    key = jax.random.key(seed)
    k1, k2, k3 = jax.random.split(key, 3)
    x = jax.random.normal(k1, (B, D_IN), dtype=jnp.float32)
    # nn.Linear params: weight [hidden_size, input_size], bias [hidden_size]
    W = jax.random.normal(k2, (D_HID, D_IN), dtype=jnp.float32) * 0.02
    b = jax.random.normal(k3, (D_HID,), dtype=jnp.float32) * 0.01
    return {"x": x, "W": W, "b": b}


def reference(x, W, b):
    hidden = jax.nn.sigmoid(x @ W.T + b)
    _, topk_idx = jax.lax.top_k(hidden, K)
    rows = jnp.arange(hidden.shape[0])[:, None]
    mask = jnp.zeros(hidden.shape, dtype=bool).at[rows, topk_idx].set(True)
    return hidden * mask

if __name__ == "__main__":
    import jax
    _d = setup_inputs()
    print(jax.jit(kernel)(*tuple(_d.values())))

</pallas_src>

<mosaic_0001>
#map = affine_map<(d0, d1) -> (0, 0)>
#map1 = affine_map<(d0, d1) -> (0)>
module attributes {stable_mosaic.version = 14 : i64} {
  func.func @_sc_select_body(%arg0: i32, %arg1: i32, %arg2: memref<4096x32768xf32, #tpu.memory_space<hbm>>, %arg3: memref<4096xf32, #tpu.memory_space<hbm>>, %arg4: memref<32768xf32, #tpu.memory_space<vmem>>, %arg5: memref<1024xf32, #tpu.memory_space<vmem>>, %arg6: memref<1024xi32, #tpu.memory_space<vmem>>, %arg7: memref<128xf32, #tpu.memory_space<vmem>>) attributes {dimension_semantics = [#tpu.dimension_semantics<core_parallel>, #tpu.dimension_semantics<subcore_parallel>], iteration_bounds = array<i64: 2, 16>, scalar_prefetch = 0 : i64, scratch_operands = 4 : i64, tpu.core_type = #tpu.core_type<sc_vector_subcore>, window_params = [{transform_indices = #map}, {transform_indices = #map1}]} {
    %mul3A = arith.constant 2 : i32
    %mul3A_0 = arith.muli %arg1, %mul3A : i32
    %add3A = arith.addi %mul3A_0, %arg0 : i32
    %broadcast_in_dim3A = arith.constant 0.000000e+00 : f32
    %broadcast_in_dim3A_1 = vector.broadcast %broadcast_in_dim3A : f32 to vector<16xf32>
    %broadcast_in_dim3A_2 = arith.constant 1.000000e+00 : f32
    %broadcast_in_dim3A_3 = vector.broadcast %broadcast_in_dim3A_2 : f32 to vector<16xf32>
    %iota3A = tpu.iota {dimensions = array<i32: 0>} : vector<16xi32>
    %convert_element_type3A = arith.sitofp %iota3A : vector<16xi32> to vector<16xf32>
    %scan3A = arith.constant 1.280000e+02 : f32
    %scan3A_4 = arith.constant 0 : i32
    %scan3A_5 = arith.constant 128 : i32
    %scan3A_6 = arith.addi %scan3A_4, %scan3A_5 : i32
    %scan3A_7 = arith.constant 1 : i32
    %scan3A_8 = scf.for %scan3A_12 = %scan3A_4 to %scan3A_6 step %scan3A_7 iter_args(%scan3A_13 = %broadcast_in_dim3A_1) -> (vector<16xf32>)  : i32 {
      %mul3A_14 = arith.constant 128 : i32
      %mul3A_15 = arith.muli %add3A, %mul3A_14 : i32
      %add3A_16 = arith.addi %mul3A_15, %scan3A_12 : i32
      "tpu.region"() ({
        %run_scoped3A = tpu.sem_alloc : memref<!tpu.dma_semaphore, #tpu.memory_space<semaphore_mem>>
        %dma_start3A = arith.constant 0 : i32
        %dma_start3A_88 = tpu.memref_slice %arg2[%add3A_16, %dma_start3A] : memref<4096x32768xf32, #tpu.memory_space<hbm>> -> memref<1x32768xf32, #tpu.memory_space<hbm>>
        %dma_start3A_89 = tpu.memref_squeeze %dma_start3A_88 : memref<1x32768xf32, #tpu.memory_space<hbm>> -> memref<32768xf32, #tpu.memory_space<hbm>>
        %dma_start3A_90 = arith.constant 0 : i32
        %dma_start3A_91 = tpu.memref_slice %arg2[%add3A_16, %dma_start3A_90] : memref<4096x32768xf32, #tpu.memory_space<hbm>> -> memref<1x32768xf32, #tpu.memory_space<hbm>>
        %dma_start3A_92 = tpu.memref_squeeze %dma_start3A_91 : memref<1x32768xf32, #tpu.memory_space<hbm>> -> memref<32768xf32, #tpu.memory_space<hbm>>
        tpu.enqueue_dma source(%dma_start3A_92 : memref<32768xf32, #tpu.memory_space<hbm>>) target(%arg4 : memref<32768xf32, #tpu.memory_space<vmem>>) target_semaphore(%run_scoped3A : memref<!tpu.dma_semaphore, #tpu.memory_space<semaphore_mem>>)
        %dma_wait3A = arith.constant 0 : i32
        %dma_wait3A_93 = tpu.memref_slice %arg2[%add3A_16, %dma_wait3A] : memref<4096x32768xf32, #tpu.memory_space<hbm>> -> memref<1x32768xf32, #tpu.memory_space<hbm>>
        %dma_wait3A_94 = tpu.memref_squeeze %dma_wait3A_93 : memref<1x32768xf32, #tpu.memory_space<hbm>> -> memref<32768xf32, #tpu.memory_space<hbm>>
        %dma_wait3A_95 = arith.constant 0 : i32
        %dma_wait3A_96 = tpu.memref_slice %arg2[%add3A_16, %dma_wait3A_95] : memref<4096x32768xf32, #tpu.memory_space<hbm>> -> memref<1x32768xf32, #tpu.memory_space<hbm>>
        %dma_wait3A_97 = tpu.memref_squeeze %dma_wait3A_96 : memref<1x32768xf32, #tpu.memory_space<hbm>> -> memref<32768xf32, #tpu.memory_space<hbm>>
        tpu.wait_dma2 semaphore(%run_scoped3A : memref<!tpu.dma_semaphore, #tpu.memory_space<semaphore_mem>>) src(%dma_wait3A_97 : memref<32768xf32, #tpu.memory_space<hbm>>) dst(%arg4 : memref<32768xf32, #tpu.memory_space<vmem>>)
        tpu.yield
      }) : () -> ()
      %scan3A_17 = arith.constant 0 : i32
      %scan3A_18 = arith.constant 0 : i32
      %scan3A_19 = arith.constant 64 : i32
      %scan3A_20 = arith.addi %scan3A_18, %scan3A_19 : i32
      %scan3A_21 = arith.constant 1 : i32
      %scan3A_22 = scf.for %scan3A_88 = %scan3A_18 to %scan3A_20 step %scan3A_21 iter_args(%scan3A_89 = %scan3A_17) -> (i32)  : i32 {
        %mul3A_90 = arith.constant 16 : i32
        %mul3A_91 = arith.muli %scan3A_88, %mul3A_90 : i32
        %swap3A = arith.index_cast %mul3A_91 : i32 to index
        %swap3A_92 = tpu.vector_load %arg5[%swap3A] {strides = array<i32>} : memref<1024xf32, #tpu.memory_space<vmem>>, vector<16xf32>,
        tpu.vector_store %arg5[%swap3A], %broadcast_in_dim3A_1 {strides = array<i32>} : memref<1024xf32, #tpu.memory_space<vmem>>, vector<16xf32>,
        %scan3A_93 = arith.constant 0 : i32
        scf.yield %scan3A_93 : i32
      }
      %scan3A_23 = arith.constant 64 : i32
      %scan3A_24 = arith.constant 0 : i32
      %scan3A_25 = arith.constant 0 : i32
      %scan3A_26 = arith.constant 2048 : i32
      %scan3A_27 = arith.addi %scan3A_25, %scan3A_26 : i32
      %scan3A_28 = arith.constant 1 : i32
      %scan3A_29 = scf.for %scan3A_88 = %scan3A_25 to %scan3A_27 step %scan3A_28 iter_args(%scan3A_89 = %scan3A_24) -> (i32)  : i32 {
        %mul3A_90 = arith.constant 16 : i32
        %mul3A_91 = arith.muli %scan3A_88, %mul3A_90 : i32
        %get3A = arith.index_cast %mul3A_91 : i32 to index
        %get3A_92 = tpu.vector_load %arg4[%get3A] {strides = array<i32>} : memref<32768xf32, #tpu.memory_space<vmem>>, vector<16xf32>,
        %bitcast3A_93 = vector.bitcast %get3A_92 : vector<16xf32> to vector<16xi32>
        %shift_right_logical3A = arith.constant 20 : i32
        %shift_right_logical3A_94 = vector.broadcast %shift_right_logical3A : i32 to vector<16xi32>
        %shift_right_logical3A_95 = arith.shrui %bitcast3A_93, %shift_right_logical3A_94 : vector<16xi32>
        tpu.vector_store_idx %arg5[%shift_right_logical3A_95], %broadcast_in_dim3A_3 {add = true} : memref<1024xf32, #tpu.memory_space<vmem>>[vector<16xi32>], vector<16xf32>,
        %scan3A_96 = arith.constant 0 : i32
        scf.yield %scan3A_96 : i32
      }
      %scan3A_30 = arith.constant 2048 : i32
      %scan3A_31 = arith.constant 0.000000e+00 : f32
      %scan3A_32 = arith.constant 0 : i32
      %scan3A_33 = arith.constant 64 : i32
      %scan3A_34 = arith.addi %scan3A_32, %scan3A_33 : i32
      %scan3A_35 = arith.constant 1 : i32
      %scan3A_36:3 = scf.for %scan3A_88 = %scan3A_32 to %scan3A_34 step %scan3A_35 iter_args(%scan3A_89 = %scan3A_31, %scan3A_90 = %broadcast_in_dim3A_1, %scan3A_91 = %broadcast_in_dim3A_1) -> (f32, vector<16xf32>, vector<16xf32>)  : i32 {
        %sub3A_92 = arith.constant 63 : i32
        %sub3A_93 = arith.subi %sub3A_92, %scan3A_88 : i32
        %mul3A_94 = arith.constant 16 : i32
        %mul3A_95 = arith.muli %sub3A_93, %mul3A_94 : i32
        %get3A = arith.index_cast %mul3A_95 : i32 to index
        %get3A_96 = tpu.vector_load %arg5[%get3A] {strides = array<i32>} : memref<1024xf32, #tpu.memory_space<vmem>>, vector<16xf32>,
        %rev3A = arith.constant 15 : i32
        %rev3A_97 = vector.broadcast %rev3A : i32 to vector<16xi32>
        %rev3A_98 = tpu.iota {dimensions = array<i32: 0>} : vector<16xi32>
        %rev3A_99 = arith.subi %rev3A_97, %rev3A_98 : vector<16xi32>
        %rev3A_100 = tpu.dynamic_gather %get3A_96[%rev3A_99] in [0] : vector<16xf32>, vector<16xi32> -> vector<16xf32>
        %broadcast_in_dim3A_101 = arith.constant true
        %broadcast_in_dim3A_102 = vector.broadcast %broadcast_in_dim3A_101 : i1 to vector<16xi1>
        %masked_cumsum3A = tpu.scan <sum>, %rev3A_100 masked %broadcast_in_dim3A_102 : vector<16xf32>, vector<16xi1> -> vector<16xf32>
        %add3A_103 = vector.broadcast %scan3A_89 : f32 to vector<16xf32>
        %add3A_104 = arith.addf %masked_cumsum3A, %add3A_103 : vector<16xf32>
        %sub3A_105 = arith.subf %add3A_104, %rev3A_100 : vector<16xf32>
        %ge3A = vector.broadcast %scan3A : f32 to vector<16xf32>
        %ge3A_106 = arith.cmpf oge, %add3A_104, %ge3A : vector<16xf32>
        %lt3A = vector.broadcast %scan3A : f32 to vector<16xf32>
        %lt3A_107 = arith.cmpf olt, %sub3A_105, %lt3A : vector<16xf32>
        %and3A_108 = arith.andi %ge3A_106, %lt3A_107 : vector<16xi1>
        %mul3A_109 = arith.constant 16 : i32
        %mul3A_110 = arith.muli %sub3A_93, %mul3A_109 : i32
        %add3A_111 = arith.constant 15 : i32
        %add3A_112 = arith.addi %mul3A_110, %add3A_111 : i32
        %convert_element_type3A_113 = arith.sitofp %add3A_112 : i32 to f32
        %sub3A_114 = vector.broadcast %convert_element_type3A_113 : f32 to vector<16xf32>
        %sub3A_115 = arith.subf %sub3A_114, %convert_element_type3A : vector<16xf32>
        %jit3A_116 = arith.constant 0.000000e+00 : f32
        %broadcast_in_dim3A_117 = vector.broadcast %jit3A_116 : f32 to vector<16xf32>
        %select_n3A_118 = arith.select %and3A_108, %sub3A_115, %broadcast_in_dim3A_117 : vector<16xi1>, vector<16xf32>
        %add3A_119 = arith.addf %scan3A_90, %select_n3A_118 : vector<16xf32>
        %jit3A_120 = arith.constant 0.000000e+00 : f32
        %broadcast_in_dim3A_121 = vector.broadcast %jit3A_120 : f32 to vector<16xf32>
        %select_n3A_122 = arith.select %and3A_108, %sub3A_105, %broadcast_in_dim3A_121 : vector<16xi1>, vector<16xf32>
        %add3A_123 = arith.addf %scan3A_91, %select_n3A_122 : vector<16xf32>
        %reduce_sum3A_124 = arith.constant true
        %reduce_sum3A_125 = vector.broadcast %reduce_sum3A_124 : i1 to vector<16xi1>
        %reduce_sum3A_126 = tpu.scan <sum>, %get3A_96 masked %reduce_sum3A_125 : vector<16xf32>, vector<16xi1> -> vector<16xf32>
        %reduce_sum3A_127 = vector.extract %reduce_sum3A_126[15] : f32 from vector<16xf32>
        %add3A_128 = arith.addf %scan3A_89, %reduce_sum3A_127 : f32
        scf.yield %add3A_128, %add3A_119, %add3A_123 : f32, vector<16xf32>, vector<16xf32>
      }
      %scan3A_37 = arith.constant 64 : i32
      %reduce_sum3A = arith.constant true
      %reduce_sum3A_38 = vector.broadcast %reduce_sum3A : i1 to vector<16xi1>
      %reduce_sum3A_39 = tpu.scan <sum>, %scan3A_36#1 masked %reduce_sum3A_38 : vector<16xf32>, vector<16xi1> -> vector<16xf32>
      %reduce_sum3A_40 = vector.extract %reduce_sum3A_39[15] : f32 from vector<16xf32>
      %convert_element_type3A_41 = arith.fptosi %reduce_sum3A_40 : f32 to i32
      %reduce_sum3A_42 = arith.constant true
      %reduce_sum3A_43 = vector.broadcast %reduce_sum3A_42 : i1 to vector<16xi1>
      %reduce_sum3A_44 = tpu.scan <sum>, %scan3A_36#2 masked %reduce_sum3A_43 : vector<16xf32>, vector<16xi1> -> vector<16xf32>
      %reduce_sum3A_45 = vector.extract %reduce_sum3A_44[15] : f32 from vector<16xf32>
      %scan3A_46 = arith.constant 0 : i32
      %scan3A_47 = arith.constant 0 : i32
      %scan3A_48 = arith.constant 2048 : i32
      %scan3A_49 = arith.addi %scan3A_47, %scan3A_48 : i32
      %scan3A_50 = arith.constant 1 : i32
      %scan3A_51 = scf.for %scan3A_88 = %scan3A_47 to %scan3A_49 step %scan3A_50 iter_args(%scan3A_89 = %scan3A_46) -> (i32)  : i32 {
        %mul3A_90 = arith.constant 16 : i32
        %mul3A_91 = arith.muli %scan3A_88, %mul3A_90 : i32
        %get3A = arith.index_cast %mul3A_91 : i32 to index
        %get3A_92 = tpu.vector_load %arg4[%get3A] {strides = array<i32>} : memref<32768xf32, #tpu.memory_space<vmem>>, vector<16xf32>,
        %bitcast3A_93 = vector.bitcast %get3A_92 : vector<16xf32> to vector<16xi32>
        %shift_right_logical3A = arith.constant 20 : i32
        %shift_right_logical3A_94 = vector.broadcast %shift_right_logical3A : i32 to vector<16xi32>
        %shift_right_logical3A_95 = arith.shrui %bitcast3A_93, %shift_right_logical3A_94 : vector<16xi32>
        %eq3A_96 = vector.broadcast %convert_element_type3A_41 : i32 to vector<16xi32>
        %eq3A_97 = arith.cmpi eq, %shift_right_logical3A_95, %eq3A_96 : vector<16xi32>
        %min3A_98 = arith.constant 1008 : i32
        %min3A_99 = arith.minsi %scan3A_89, %min3A_98 : i32
        %swap3A = arith.index_cast %min3A_99 : i32 to index
        %swap3A_100 = tpu.vector_load %arg6[%swap3A] masked %eq3A_97 {strides = array<i32>} : memref<1024xi32, #tpu.memory_space<vmem>>, vector<16xi32>, vector<16xi1>
        tpu.vector_store %arg6[%swap3A], %bitcast3A_93 masked %eq3A_97 {strides = array<i32>} : memref<1024xi32, #tpu.memory_space<vmem>>, vector<16xi32>, vector<16xi1>
        %all_reduce_population_count3A = tpu.all_reduce %eq3A_97 {dim = 0 : i64, kind = #tpu.reduction_kind<sum>} : vector<16xi1> -> vector<16xi32>
        %reduce_max3A = arith.constant true
        %reduce_max3A_101 = vector.broadcast %reduce_max3A : i1 to vector<16xi1>
        %reduce_max3A_102 = arith.constant -2147483648 : i32
        %reduce_max3A_103 = vector.broadcast %reduce_max3A_102 : i32 to vector<16xi32>
        %reduce_max3A_104 = arith.xori %all_reduce_population_count3A, %reduce_max3A_103 : vector<16xi32>
        %reduce_max3A_105 = tpu.scan <max>, %reduce_max3A_104 masked %reduce_max3A_101 : vector<16xi32>, vector<16xi1> -> vector<16xi32>
        %reduce_max3A_106 = arith.xori %reduce_max3A_105, %reduce_max3A_103 : vector<16xi32>
        %reduce_max3A_107 = vector.extract %reduce_max3A_106[15] : i32 from vector<16xi32>
        %add3A_108 = arith.addi %scan3A_89, %reduce_max3A_107 : i32
        scf.yield %add3A_108 : i32
      }
      %scan3A_52 = arith.constant 2048 : i32
      %min3A = arith.constant 1024 : i32
      %min3A_53 = arith.minsi %scan3A_51, %min3A : i32
      %add3A_54 = arith.constant 15 : i32
      %add3A_55 = arith.addi %min3A_53, %add3A_54 : i32
      %jit3A = arith.constant 16 : i32
      %div3A = arith.divsi %add3A_55, %jit3A : i32
      %sign3A = arith.constant 0 : i32
      %sign3A_56 = arith.cmpi sgt, %add3A_55, %sign3A : i32
      %sign3A_57 = arith.extui %sign3A_56 : i1 to i32
      %sign3A_58 = arith.constant 0 : i32
      %sign3A_59 = arith.cmpi slt, %add3A_55, %sign3A_58 : i32
      %sign3A_60 = arith.extui %sign3A_59 : i1 to i32
      %sign3A_61 = arith.subi %sign3A_57, %sign3A_60 : i32
      %sign3A_62 = arith.constant 0 : i32
      %sign3A_63 = arith.cmpi sgt, %jit3A, %sign3A_62 : i32
      %sign3A_64 = arith.extui %sign3A_63 : i1 to i32
      %sign3A_65 = arith.constant 0 : i32
      %sign3A_66 = arith.cmpi slt, %jit3A, %sign3A_65 : i32
      %sign3A_67 = arith.extui %sign3A_66 : i1 to i32
      %sign3A_68 = arith.subi %sign3A_64, %sign3A_67 : i32
      %ne3A = arith.cmpi ne, %sign3A_61, %sign3A_68 : i32
      %rem3A = arith.remsi %add3A_55, %jit3A : i32
      %ne3A_69 = arith.constant 0 : i32
      %ne3A_70 = arith.cmpi ne, %rem3A, %ne3A_69 : i32
      %and3A = arith.andi %ne3A, %ne3A_70 : i1
      %sub3A = arith.constant 1 : i32
      %sub3A_71 = arith.subi %div3A, %sub3A : i32
      %select_n3A = arith.select %and3A, %sub3A_71, %div3A : i32
      %shift_left3A = arith.constant 20 : i32
      %shift_left3A_72 = arith.shli %convert_element_type3A_41, %shift_left3A : i32
      %scan3A_73 = arith.constant 0 : i32
      %scan3A_74 = arith.constant 20 : i32
      %scan3A_75 = arith.addi %scan3A_73, %scan3A_74 : i32
      %scan3A_76 = arith.constant 1 : i32
      %scan3A_77 = scf.for %scan3A_88 = %scan3A_73 to %scan3A_75 step %scan3A_76 iter_args(%scan3A_89 = %shift_left3A_72) -> (i32)  : i32 {
        %sub3A_90 = arith.constant 19 : i32
        %sub3A_91 = arith.subi %sub3A_90, %scan3A_88 : i32
        %shift_left3A_92 = arith.constant 1 : i32
        %shift_left3A_93 = arith.shli %shift_left3A_92, %sub3A_91 : i32
        %or3A = arith.ori %scan3A_89, %shift_left3A_93 : i32
        %while3A = arith.constant 0 : i32
        %while3A_94 = arith.subi %select_n3A, %while3A : i32
        %while3A_95 = arith.addi %while3A, %while3A_94 : i32
        %while3A_96 = arith.constant 1 : i32
        %while3A_97 = arith.divsi %while3A_94, %while3A_96 : i32
        %while3A_98 = arith.muli %while3A_97, %while3A_96 : i32
        %while3A_99 = arith.addi %while3A, %while3A_98 : i32
        %while3A_100 = arith.constant 1 : i32
        %while3A_101 = scf.for %while3A_105 = %while3A to %while3A_99 step %while3A_100 iter_args(%while3A_106 = %reduce_sum3A_45) -> (f32)  : i32 {
          %mul3A_107 = arith.constant 16 : i32
          %mul3A_108 = arith.muli %while3A_105, %mul3A_107 : i32
          %get3A = arith.index_cast %mul3A_108 : i32 to index
          %get3A_109 = tpu.vector_load %arg6[%get3A] {strides = array<i32>} : memref<1024xi32, #tpu.memory_space<vmem>>, vector<16xi32>,
          %mul3A_110 = arith.constant 16 : i32
          %mul3A_111 = arith.muli %while3A_105, %mul3A_110 : i32
          %add3A_112 = vector.broadcast %mul3A_111 : i32 to vector<16xi32>
          %add3A_113 = arith.addi %add3A_112, %iota3A : vector<16xi32>
          %lt3A = vector.broadcast %min3A_53 : i32 to vector<16xi32>
          %lt3A_114 = arith.cmpi slt, %add3A_113, %lt3A : vector<16xi32>
          %ge3A_115 = vector.broadcast %or3A : i32 to vector<16xi32>
          %ge3A_116 = arith.cmpi sge, %get3A_109, %ge3A_115 : vector<16xi32>
          %and3A_117 = arith.andi %lt3A_114, %ge3A_116 : vector<16xi1>
          %jit3A_118 = arith.constant 1.000000e+00 : f32
          %jit3A_119 = arith.constant 0.000000e+00 : f32
          %broadcast_in_dim3A_120 = vector.broadcast %jit3A_118 : f32 to vector<16xf32>
          %broadcast_in_dim3A_121 = vector.broadcast %jit3A_119 : f32 to vector<16xf32>
          %select_n3A_122 = arith.select %and3A_117, %broadcast_in_dim3A_120, %broadcast_in_dim3A_121 : vector<16xi1>, vector<16xf32>
          %reduce_sum3A_123 = arith.constant true
          %reduce_sum3A_124 = vector.broadcast %reduce_sum3A_123 : i1 to vector<16xi1>
          %reduce_sum3A_125 = tpu.scan <sum>, %select_n3A_122 masked %reduce_sum3A_124 : vector<16xf32>, vector<16xi1> -> vector<16xf32>
          %reduce_sum3A_126 = vector.extract %reduce_sum3A_125[15] : f32 from vector<16xf32>
          %add3A_127 = arith.addf %while3A_106, %reduce_sum3A_126 : f32
          scf.yield %add3A_127 : f32
        }
        %while3A_102 = arith.constant 1 : i32
        %while3A_103 = scf.for %while3A_105 = %while3A_99 to %while3A_95 step %while3A_102 iter_args(%while3A_106 = %while3A_101) -> (f32)  : i32 {
          %mul3A_107 = arith.constant 16 : i32
          %mul3A_108 = arith.muli %while3A_105, %mul3A_107 : i32
          %get3A = arith.index_cast %mul3A_108 : i32 to index
          %get3A_109 = tpu.vector_load %arg6[%get3A] {strides = array<i32>} : memref<1024xi32, #tpu.memory_space<vmem>>, vector<16xi32>,
          %mul3A_110 = arith.constant 16 : i32
          %mul3A_111 = arith.muli %while3A_105, %mul3A_110 : i32
          %add3A_112 = vector.broadcast %mul3A_111 : i32 to vector<16xi32>
          %add3A_113 = arith.addi %add3A_112, %iota3A : vector<16xi32>
          %lt3A = vector.broadcast %min3A_53 : i32 to vector<16xi32>
          %lt3A_114 = arith.cmpi slt, %add3A_113, %lt3A : vector<16xi32>
          %ge3A_115 = vector.broadcast %or3A : i32 to vector<16xi32>
          %ge3A_116 = arith.cmpi sge, %get3A_109, %ge3A_115 : vector<16xi32>
          %and3A_117 = arith.andi %lt3A_114, %ge3A_116 : vector<16xi1>
          %jit3A_118 = arith.constant 1.000000e+00 : f32
          %jit3A_119 = arith.constant 0.000000e+00 : f32
          %broadcast_in_dim3A_120 = vector.broadcast %jit3A_118 : f32 to vector<16xf32>
          %broadcast_in_dim3A_121 = vector.broadcast %jit3A_119 : f32 to vector<16xf32>
          %select_n3A_122 = arith.select %and3A_117, %broadcast_in_dim3A_120, %broadcast_in_dim3A_121 : vector<16xi1>, vector<16xf32>
          %reduce_sum3A_123 = arith.constant true
          %reduce_sum3A_124 = vector.broadcast %reduce_sum3A_123 : i1 to vector<16xi1>
          %reduce_sum3A_125 = tpu.scan <sum>, %select_n3A_122 masked %reduce_sum3A_124 : vector<16xf32>, vector<16xi1> -> vector<16xf32>
          %reduce_sum3A_126 = vector.extract %reduce_sum3A_125[15] : f32 from vector<16xf32>
          %add3A_127 = arith.addf %while3A_106, %reduce_sum3A_126 : f32
          scf.yield %add3A_127 : f32
        }
        %ge3A = arith.cmpf oge, %while3A_103, %scan3A : f32
        %select_n3A_104 = arith.select %ge3A, %or3A, %scan3A_89 : i32
        scf.yield %select_n3A_104 : i32
      }
      %scan3A_78 = arith.constant 20 : i32
      %broadcast_in_dim3A_79 = vector.broadcast %scan3A_77 : i32 to vector<16xi32>
      %bitcast3A = vector.bitcast %broadcast_in_dim3A_79 : vector<16xi32> to vector<16xf32>
      %rem3A_80 = arith.constant 16 : i32
      %rem3A_81 = arith.remsi %scan3A_12, %rem3A_80 : i32
      %eq3A = vector.broadcast %rem3A_81 : i32 to vector<16xi32>
      %eq3A_82 = arith.cmpi eq, %iota3A, %eq3A : vector<16xi32>
      %select_n3A_83 = arith.select %eq3A_82, %bitcast3A, %scan3A_13 : vector<16xi1>, vector<16xf32>
      %eq3A_84 = arith.constant 15 : i32
      %eq3A_85 = arith.cmpi eq, %rem3A_81, %eq3A_84 : i32
      %convert_element_type3A_86 = arith.extui %eq3A_85 : i1 to i32
      %cond3A = arith.constant 0 : i32
      %cond3A_87 = arith.cmpi ne, %convert_element_type3A_86, %cond3A : i32
      scf.if %cond3A_87 {
        %jit3A_88 = arith.constant 16 : i32
        %div3A_89 = arith.divsi %scan3A_12, %jit3A_88 : i32
        %sign3A_90 = arith.constant 0 : i32
        %sign3A_91 = arith.cmpi sgt, %scan3A_12, %sign3A_90 : i32
        %sign3A_92 = arith.extui %sign3A_91 : i1 to i32
        %sign3A_93 = arith.constant 0 : i32
        %sign3A_94 = arith.cmpi slt, %scan3A_12, %sign3A_93 : i32
        %sign3A_95 = arith.extui %sign3A_94 : i1 to i32
        %sign3A_96 = arith.subi %sign3A_92, %sign3A_95 : i32
        %sign3A_97 = arith.constant 0 : i32
        %sign3A_98 = arith.cmpi sgt, %jit3A_88, %sign3A_97 : i32
        %sign3A_99 = arith.extui %sign3A_98 : i1 to i32
        %sign3A_100 = arith.constant 0 : i32
        %sign3A_101 = arith.cmpi slt, %jit3A_88, %sign3A_100 : i32
        %sign3A_102 = arith.extui %sign3A_101 : i1 to i32
        %sign3A_103 = arith.subi %sign3A_99, %sign3A_102 : i32
        %ne3A_104 = arith.cmpi ne, %sign3A_96, %sign3A_103 : i32
        %rem3A_105 = arith.remsi %scan3A_12, %jit3A_88 : i32
        %ne3A_106 = arith.constant 0 : i32
        %ne3A_107 = arith.cmpi ne, %rem3A_105, %ne3A_106 : i32
        %and3A_108 = arith.andi %ne3A_104, %ne3A_107 : i1
        %sub3A_109 = arith.constant 1 : i32
        %sub3A_110 = arith.subi %div3A_89, %sub3A_109 : i32
        %select_n3A_111 = arith.select %and3A_108, %sub3A_110, %div3A_89 : i32
        %mul3A_112 = arith.constant 16 : i32
        %mul3A_113 = arith.muli %select_n3A_111, %mul3A_112 : i32
        %swap3A = arith.index_cast %mul3A_113 : i32 to index
        %swap3A_114 = tpu.vector_load %arg7[%swap3A] {strides = array<i32>} : memref<128xf32, #tpu.memory_space<vmem>>, vector<16xf32>,
        tpu.vector_store %arg7[%swap3A], %select_n3A_83 {strides = array<i32>} : memref<128xf32, #tpu.memory_space<vmem>>, vector<16xf32>,
      } else {
      }
      scf.yield %select_n3A_83 : vector<16xf32>
    }
    %scan3A_9 = arith.constant 128 : i32
    %mul3A_10 = arith.constant 128 : i32
    %mul3A_11 = arith.muli %add3A, %mul3A_10 : i32
    "tpu.region"() ({
      %run_scoped3A = tpu.sem_alloc : memref<!tpu.dma_semaphore, #tpu.memory_space<semaphore_mem>>
      %dma_start3A = tpu.memref_slice %arg3[%mul3A_11] : memref<4096xf32, #tpu.memory_space<hbm>> -> memref<128xf32, #tpu.memory_space<hbm>>
      %dma_start3A_12 = tpu.memref_slice %arg3[%mul3A_11] : memref<4096xf32, #tpu.memory_space<hbm>> -> memref<128xf32, #tpu.memory_space<hbm>>
      tpu.enqueue_dma source(%arg7 : memref<128xf32, #tpu.memory_space<vmem>>) target(%dma_start3A_12 : memref<128xf32, #tpu.memory_space<hbm>>) target_semaphore(%run_scoped3A : memref<!tpu.dma_semaphore, #tpu.memory_space<semaphore_mem>>)
      %dma_wait3A = tpu.memref_slice %arg3[%mul3A_11] : memref<4096xf32, #tpu.memory_space<hbm>> -> memref<128xf32, #tpu.memory_space<hbm>>
      %dma_wait3A_13 = tpu.memref_slice %arg3[%mul3A_11] : memref<4096xf32, #tpu.memory_space<hbm>> -> memref<128xf32, #tpu.memory_space<hbm>>
      tpu.wait_dma2 semaphore(%run_scoped3A : memref<!tpu.dma_semaphore, #tpu.memory_space<semaphore_mem>>) src(%arg7 : memref<128xf32, #tpu.memory_space<vmem>>) dst(%dma_wait3A_13 : memref<128xf32, #tpu.memory_space<hbm>>)
      tpu.yield
    }) : () -> ()
    return
  }
}

module attributes {stable_mosaic.version = 14 : i64} {
  func.func @_mask_body(%arg0: i32, %arg1: memref<64x32768xf32, #tpu.memory_space<vmem>>, %arg2: memref<64x1xf32, #tpu.memory_space<vmem>>, %arg3: memref<64x32768xf32, #tpu.memory_space<vmem>>) attributes {dimension_semantics = [#tpu.dimension_semantics<parallel>], iteration_bounds = array<i64: 64>, scalar_prefetch = 0 : i64, scratch_operands = 0 : i64, tpu.core_type = #tpu.core_type<tc>, window_params = [{transform_indices = @transform_0, window_bounds = array<i64: 64, 32768>}, {transform_indices = @transform_1, window_bounds = array<i64: 64, 1>}, {transform_indices = @transform_2, window_bounds = array<i64: 64, 32768>}]} {
    %get3A = arith.constant 0 : index
    %get3A_0 = arith.constant 0 : index
    %get3A_1 = vector.load %arg1[%get3A, %get3A_0] : memref<64x32768xf32, #tpu.memory_space<vmem>>, vector<64x32768xf32>
    %get3A_2 = arith.constant 0 : index
    %get3A_3 = arith.constant 0 : index
    %get3A_4 = vector.load %arg2[%get3A_2, %get3A_3] : memref<64x1xf32, #tpu.memory_space<vmem>>, vector<64x1xf32>
    %ge3A = vector.broadcast %get3A_4 : vector<64x1xf32> to vector<64x32768xf32>
    %ge3A_5 = arith.cmpf oge, %get3A_1, %ge3A : vector<64x32768xf32>
    %jit3A = arith.constant 0.000000e+00 : f32
    %broadcast_in_dim3A = vector.broadcast %jit3A : f32 to vector<64x32768xf32>
    %select_n3A = arith.select %ge3A_5, %get3A_1, %broadcast_in_dim3A : vector<64x32768xi1>, vector<64x32768xf32>
    %swap3A = arith.constant 0 : index
    %swap3A_6 = arith.constant 0 : index
    %swap3A_7 = vector.load %arg3[%swap3A, %swap3A_6] : memref<64x32768xf32, #tpu.memory_space<vmem>>, vector<64x32768xf32>
    tpu.vector_store %arg3[%swap3A, %swap3A_6], %select_n3A {strides = array<i32>} : memref<64x32768xf32, #tpu.memory_space<vmem>>, vector<64x32768xf32>,
    return
  }
  func.func @transform_0(%arg0: i32) -> (i32, i32) {
    %c0_i32 = arith.constant 0 : i32
    %c0_i32_0 = arith.constant 0 : i32
    return %arg0, %c0_i32 : i32, i32
  }
  func.func @transform_1(%arg0: i32) -> (i32, i32) {
    %c0_i32 = arith.constant 0 : i32
    %c0_i32_0 = arith.constant 0 : i32
    return %arg0, %c0_i32 : i32, i32
  }
  func.func @transform_2(%arg0: i32) -> (i32, i32) {
    %c0_i32 = arith.constant 0 : i32
    %c0_i32_0 = arith.constant 0 : i32
    return %arg0, %c0_i32 : i32, i32
  }
}

module attributes {stable_mosaic.version = 14 : i64} {
  func.func @_matmul_body(%arg0: i32, %arg1: i32, %arg2: memref<4096x2048xf32, #tpu.memory_space<vmem>>, %arg3: memref<512x2048xf32, #tpu.memory_space<vmem>>, %arg4: memref<1x512xf32, #tpu.memory_space<vmem>>, %arg5: memref<1024x512xf32, #tpu.memory_space<vmem>>) attributes {dimension_semantics = [#tpu.dimension_semantics<arbitrary>, #tpu.dimension_semantics<arbitrary>], iteration_bounds = array<i64: 64, 4>, scalar_prefetch = 0 : i64, scratch_operands = 0 : i64, tpu.core_type = #tpu.core_type<tc>, window_params = [{pipeline_mode = #tpu.pipeline_mode<synchronous>, transform_indices = @transform_0, window_bounds = array<i64: 4096, 2048>}, {transform_indices = @transform_1, window_bounds = array<i64: 512, 2048>}, {transform_indices = @transform_2, window_bounds = array<i64: 1, 512>}, {transform_indices = @transform_3, window_bounds = array<i64: 1024, 512>}]} {
    %mul3A = arith.constant 1024 : i32
    %mul3A_0 = arith.muli %arg1, %mul3A : i32
    %get3A = arith.index_cast %mul3A_0 : i32 to index
    %get3A_1 = arith.constant 0 : index
    %get3A_2 = vector.load %arg2[%get3A, %get3A_1] : memref<4096x2048xf32, #tpu.memory_space<vmem>>, vector<1024x2048xf32>
    %get3A_3 = arith.constant 0 : index
    %get3A_4 = arith.constant 0 : index
    %get3A_5 = vector.load %arg3[%get3A_3, %get3A_4] : memref<512x2048xf32, #tpu.memory_space<vmem>>, vector<512x2048xf32>
    %dot_general3A = arith.constant dense<0.000000e+00> : vector<1024x512xf32>
    %dot_general3A_6 = tpu.matmul %get3A_2, %get3A_5, %dot_general3A {dimension_numbers = #tpu.dot_dimension_numbers<[1], [1], [0], [0], [0, 0, 1, 0], [], []>, transpose_lhs_hint = false} : vector<1024x2048xf32>, vector<512x2048xf32>, vector<1024x512xf32> -> vector<1024x512xf32>
    %get3A_7 = arith.constant 0 : index
    %get3A_8 = arith.constant 0 : index
    %get3A_9 = vector.load %arg4[%get3A_7, %get3A_8] : memref<1x512xf32, #tpu.memory_space<vmem>>, vector<1x512xf32>
    %add3A = vector.broadcast %get3A_9 : vector<1x512xf32> to vector<1024x512xf32>
    %add3A_10 = arith.addf %dot_general3A_6, %add3A : vector<1024x512xf32>
    %neg3A = arith.constant 0.000000e+00 : f32
    %neg3A_11 = vector.broadcast %neg3A : f32 to vector<1024x512xf32>
    %neg3A_12 = arith.subf %neg3A_11, %add3A_10 : vector<1024x512xf32>
    %exp3A = math.exp %neg3A_12 : vector<1024x512xf32>
    %add3A_13 = arith.constant 1.000000e+00 : f32
    %add3A_14 = vector.broadcast %add3A_13 : f32 to vector<1024x512xf32>
    %add3A_15 = arith.addf %add3A_14, %exp3A : vector<1024x512xf32>
    %div3A = arith.constant 1.000000e+00 : f32
    %div3A_16 = vector.broadcast %div3A : f32 to vector<1024x512xf32>
    %div3A_17 = arith.divf %div3A_16, %add3A_15 : vector<1024x512xf32>
    %swap3A = arith.constant 0 : index
    %swap3A_18 = arith.constant 0 : index
    %swap3A_19 = vector.load %arg5[%swap3A, %swap3A_18] : memref<1024x512xf32, #tpu.memory_space<vmem>>, vector<1024x512xf32>
    tpu.vector_store %arg5[%swap3A, %swap3A_18], %div3A_17 {strides = array<i32>} : memref<1024x512xf32, #tpu.memory_space<vmem>>, vector<1024x512xf32>,
    return
  }
  func.func @transform_0(%arg0: i32, %arg1: i32) -> (i32, i32) {
    %c0_i32 = arith.constant 0 : i32
    %c0_i32_0 = arith.constant 0 : i32
    %c0_i32_1 = arith.constant 0 : i32
    return %c0_i32, %c0_i32_0 : i32, i32
  }
  func.func @transform_1(%arg0: i32, %arg1: i32) -> (i32, i32) {
    %c0_i32 = arith.constant 0 : i32
    %c0_i32_0 = arith.constant 0 : i32
    return %arg0, %c0_i32 : i32, i32
  }
  func.func @transform_2(%arg0: i32, %arg1: i32) -> (i32, i32) {
    %c0_i32 = arith.constant 0 : i32
    %c0_i32_0 = arith.constant 0 : i32
    return %c0_i32, %arg0 : i32, i32
  }
  func.func @transform_3(%arg0: i32, %arg1: i32) -> (i32, i32) {
    %c0_i32 = arith.constant 0 : i32
    return %arg1, %arg0 : i32, i32
  }
}

</mosaic_0001>

<sc_bundles>
// kernel: kernel.5.cloned.1.call-start
scs
__scs_entry_jumppad:
0x0: {  	(pc) =	sbr.rel $0x88, $3  }
0x1: {  	(tag) =	ssettag $0x0;
	lr =	simm.s32 $0x1  }
0x2: {  	[smem:$0x3F9E] =	sst lr;
	_ =	strace $0xD0000000  }
0x3: {  	_ = 	snop  }
0x4: {  	_ = 	snop  }
0x5: {  	_ = 	snop  }
0x6: {  	_ = 	snop  }
0x7: {  	_ = 	snop  }
__scs_overlays_trampoline_lowered:
0x8: {  	[smem:$0x3FAD] =	sst s0  }
0x9: {  	[smem:$0x3FAE] =	sst s1  }
0xa: {  	[smem:$0x3FAF] =	sst s2  }
0xb: {  	[smem:$0x3FB0] =	sst s3  }
0xc: {  	[smem:$0x3FB1] =	sst s4  }
0xd: {  	[smem:$0x3FB2] =	sst s5  }
0xe: {  	[smem:$0x3FB3] =	sst s6  }
0xf: {  	[smem:$0x3FB4] =	sst s7  }
0x10: {  	[smem:$0x3FB5] =	sst s8  }
0x11: {  	[smem:$0x3FB6] =	sst s9;
	s0 =	simm.s32 @!p0 $0x0  }
0x12: {  	s1 =	sld [smem:$0x3F9C];
	s0 =	simm.s32 @p0 $0x1  }
0x13: {  	[smem:$0x3FB7] =	sst s0;
	s0 =	simm.s32 @!p1 $0x0  }
0x14: {  	s2 =	sld [smem:$0x3F9B];
	s0 =	simm.s32 @p1 $0x1  }
0x15: {  	[smem:$0x3FB8] =	sst s0;
	s0 =	simm.s32 @!p2 $0x0  }
0x16: {  	s3 =	sld [smem:$0x3FDB];
	s0 =	simm.s32 @p2 $0x1  }
0x17: {  	s4 =	simm.s32 $0x1BF5;
	[smem:$0x3FBA] =	sst s0  }
0x18: {  	s0 =	sld [smem:$0x3F9D];
	_ =	swait.ge [sflag:s4], $0x0  }
0x19: {  	s7 =	sld [smem:$0x3F9E]  }
0x1a: {  	s8 =	sadd.s32 $0xFFFFE003, lr  }
0x1b: {  	s9 =	sadd.s32 $0xFFFFFEF7, lr;
	s5 =	simm.s32 $0xFFFFFFFF;
	p2 =	slt.u32 s8, $0xFFFFF086  }
0x1c: {  	p1 =	slt.u32 s9, $0xF7A;
	s5 =	simm.s32 @!p2 $0x0  }
0x1d: {  	s5 =	simm.s32 @p1 $0x1;
	p0 =	seq.s32 s7, s2  }
0x1e: {  	s7 =	smul.u32 @!p0 $0xF7A, s2;
	p2 =	seq.s32 @!p0 s5, $0x0  }
0x1f: {  	s9 =	smul.u32 $0xF7A, s1;
	s8 =	simm.s32 @!p0 $0x1BF5;
	p2 =	por !p2, p0  }
0x20: {  	[sflag:s8] =	ssyncset.s32 @!p0 $0xFFFFF086;
	s6 =	sadd.s32 @!p0 s3, s7;
	s7 =	simm.s32 @!p0 $0x108  }
0x21: {  	s3 =	sadd.s32 s3, s9;
	s6 =	sadd.s32 @!p0 $0x88, s6;
	s7 =	simm.s32 @p2 $0x1082  }
0x22: {  	[simem:s7], [sflag:s8] =	dma.local @!p0 [hbm:s6], $0xF7A  }
0x23: {  	s9 =	sor.u32 $0xD0000000, s2;
	s6 =	simm.s32 $0x108;
	_ =	swait.ge @!p0 [sflag:s8], $0x0  }
0x24: {  	s3 =	sadd.s32 $0x88, s3;
	s6 =	simm.s32 @!p1 $0x1082;
	[sflag:s4] =	ssyncset.s32 $0xFFFFF086  }
0x25: {  	[simem:s6], [sflag:s4] =	dma.local [hbm:s3], $0xF7A  }
0x26: {  	[smem:$0x3F9E] =	sst s1;
	(tag) =	ssettag s2;
	_ =	strace s9  }
0x27: {  	s1 =	sld [smem:$0x3FAE]  }
0x28: {  	s2 =	sld [smem:$0x3FAF]  }
0x29: {  	s4 =	sld [smem:$0x3FB1]  }
0x2a: {  	p0 =	seq.s32 s5, $0x0;
	s5 =	sld [smem:$0x3FB2]  }
0x2b: {  	s6 =	sld [smem:$0x3FB3]  }
0x2c: {  	s7 =	sld [smem:$0x3FB4]  }
0x2d: {  	s3 =	simm.s32 $0x108;
	s8 =	sld [smem:$0x3FB5]  }
0x2e: {  	s3 =	simm.s32 @!p0 $0x1082;
	s9 =	sld [smem:$0x3FB6]  }
0x2f: {  	lr =	sadd.s32 s0, s3;
	s0 =	sld [smem:$0x3FAD]  }
0x30: {  	s3 =	sld [smem:$0x3FB0]  }
0x31: {  	[smem:$0x3FB9] =	sst s10  }
0x32: {  	s10 =	sld [smem:$0x3FB7];
	_ =	sdelay $0x3  }
0x33: {  	p0 =	seq.s32 s10, $0x1;
	s10 =	sld [smem:$0x3FB9];
	_ =	sdelay $0x3  }
0x34: {  	[smem:$0x3FB9] =	sst s10  }
0x35: {  	s10 =	sld [smem:$0x3FB8];
	_ =	sdelay $0x3  }
0x36: {  	p1 =	seq.s32 s10, $0x1;
	s10 =	sld [smem:$0x3FB9];
	_ =	sdelay $0x3  }
0x37: {  	[smem:$0x3FB9] =	sst s10  }
0x38: {  	s10 =	sld [smem:$0x3FBA]  }
0x39: {  	_ = 	snop;
	(pc) =	sbr.ind lr, $3  }
0x3a: {  	_ = 	snop  }
0x3b: {  	_ = 	snop  }
0x3c: {  	p2 =	seq.s32 s10, $0x1;
	s10 =	sld [smem:$0x3FB9]  }
0x3d: {  	_ =	shalt  }
0x3e: {  	_ =	shalt  }
0x3f: {  	_ =	shalt  }
0x40: {  	_ =	shalt  }
0x41: {  	_ =	shalt  }
0x42: {  	_ =	shalt  }
0x43: {  	_ =	shalt  }
0x44: {  	_ =	shalt  }
0x45: {  	_ =	shalt  }
0x46: {  	_ =	shalt  }
0x47: {  	_ =	shalt  }
0x48: {  	_ =	shalt  }
0x49: {  	_ =	shalt  }
0x4a: {  	_ =	shalt  }
0x4b: {  	_ =	shalt  }
0x4c: {  	_ =	shalt  }
0x4d: {  	_ =	shalt  }
0x4e: {  	_ =	shalt  }
0x4f: {  	_ =	shalt  }
0x50: {  	_ =	shalt  }
0x51: {  	_ =	shalt  }
0x52: {  	_ =	shalt  }
0x53: {  	_ =	shalt  }
0x54: {  	_ =	shalt  }
0x55: {  	_ =	shalt  }
0x56: {  	_ =	shalt  }
0x57: {  	_ =	shalt  }
0x58: {  	_ =	shalt  }
0x59: {  	_ =	shalt  }
0x5a: {  	_ =	shalt  }
0x5b: {  	_ =	shalt  }
0x5c: {  	_ =	shalt  }
0x5d: {  	_ =	shalt  }
0x5e: {  	_ =	shalt  }
0x5f: {  	_ =	shalt  }
0x60: {  	_ =	shalt  }
0x61: {  	_ =	shalt  }
0x62: {  	_ =	shalt  }
0x63: {  	_ =	shalt  }
0x64: {  	_ =	shalt  }
0x65: {  	_ =	shalt  }
0x66: {  	_ =	shalt  }
0x67: {  	_ =	shalt  }
0x68: {  	_ =	shalt  }
0x69: {  	_ =	shalt  }
0x6a: {  	_ =	shalt  }
0x6b: {  	_ =	shalt  }
0x6c: {  	_ =	shalt  }
0x6d: {  	_ =	shalt  }
0x6e: {  	_ =	shalt  }
0x6f: {  	_ =	shalt  }
0x70: {  	_ =	shalt  }
0x71: {  	_ =	shalt  }
0x72: {  	_ =	shalt  }
0x73: {  	_ =	shalt  }
0x74: {  	_ =	shalt  }
0x75: {  	_ =	shalt  }
0x76: {  	_ =	shalt  }
0x77: {  	_ =	shalt  }
0x78: {  	_ =	shalt  }
0x79: {  	_ =	shalt  }
0x7a: {  	_ =	shalt  }
0x7b: {  	_ =	shalt  }
0x7c: {  	_ =	shalt  }
0x7d: {  	_ =	shalt  }
0x7e: {  	_ =	shalt  }
0x7f: {  	_ =	shalt  }
0x80: {  	_ =	shalt  }
0x81: {  	_ =	shalt  }
0x82: {  	_ =	shalt  }
0x83: {  	_ =	shalt  }
0x84: {  	_ =	shalt  }
0x85: {  	_ =	shalt  }
0x86: {  	_ =	shalt  }
0x87: {  	_ =	shalt  }
.Lfunc_end0:
.L_simem_size_0:
called_computation_lowered:
.L_overlay_start_0:
0x88: {  	s2 =	sld [smem:$0x3FD9]  }
0x89: {  	s3 =	sld [smem:$0x3FFE];
	_ =	sdelay $0x1  }
0x8a: {  	s1 =	srdreg.scid  }
0x8b: {  	s0 =	sand.u32 $0x1, s1  }
0x8c: {  	s17 =	sshll.u32 s0, $0xA;
	s2 =	sadd.s32 s3, s2  }
0x8d: {  	s2 =	sadd.s32 s2, s17  }
0x8e: {  	[smem:$0x3FC5] =	sst s2  }
0x8f: {  	_ = 	snop  }
0x90: {  	s2 =	sld [smem:$0x3FD0];
	(tm) =	ssettm $0x1  }
0x91: {  	s18 =	sld [smem:$0x3FFB];
	_ =	sdelay $0x3  }
0x92: {  	_ =	strace s18  }
0x93: {  	s3 =	sld [smem:$0x3FFC];
	_ =	sdelay $0x3  }
0x94: {  	_ =	strace s3  }
0x95: {  	s3 =	sld [smem:$0x3FFD];
	_ =	sdelay $0x3  }
0x96: {  	_ =	strace s3  }
0x97: {  	_ =	strace $0x8FFFFFFF  }
0x98: {  	s19 =	sld [smem:$0x3FDB];
	_ =	sdelay $0x1  }
0x99: {  	s4 =	simm.s32 $_scs_section_size  }
0x9a: {  	s5 =	simm.s32 $_size__tile_overlayer_lowered;
	s6 =	simm.s32 $_tile_overlayer_lowered  }
0x9b: {  	s22 =	simm.s32 $0x1BFF;
	s21 =	sshll.u32 s6, $0x1;
	s3 =	sadd.s32 s4, s19  }
0x9c: {  	s7 =	simm.s32 $0x0;
	s20 =	sshll.u32 s5, $0x1;
	s5 =	sadd.s32 s21, s3  }
0x9d: {  	[timem:s7], [sflag:s22] =	dma.local [hbm:s5], s20  }
0x9e: {  	_ =	swait.ge [sflag:s22], s20  }
0x9f: {  	s4 =	ssub.s32 $0x0, s20;
	[sflag:s22] =	ssyncset.done $0x0  }
0xa0: {  	[sflag:s22] =	ssyncadd.s32 s4;
	_ =	sdelay $0x1  }
0xa1: {  	s23 =	simm.s32 $0x1B8B  }
0xa2: {  	_ =	swait.ge [sflag:s23], $0x1  }
0xa3: {  	[sflag:s23] =	ssyncset.done $0x0  }
0xa4: {  	s25 =	simm.s32 $0x1B8E;
	s24 =	sld [smem:$0x3FFE];
	[sflag:s23] =	ssyncadd.s32 $0xFFFFFFFF  }
0xa5: {  	s26 =	simm.s32 $execute0_lowered;
	[smem:$0x3FD2] =	sst s25  }
0xa6: {  	s5 =	sshll.u32 s26, $0x1;
	_ =	strace $0x80000046;
	[dreg:$0x1] =	wrdreg $0xFFFFFFFF  }
0xa7: {  	s28 =	simm.s32 $_size_execute0_lowered;
	s3 =	sadd.s32 s3, s5;
	[dreg:$0x0] =	wrdreg $0x0  }
0xa8: {  	s5 =	sshll.u32 s28, $0x1;
	[dreg:$0x2] =	wrdreg s3  }
0xa9: {  	[dreg:$0x3] =	wrdreg s5  }
0xaa: {  	[dreg:$0x4] =	wrdreg $0xC0  }
0xab: {  	_ =	task [dreg:s7], $0x5FFFF  }
0xac: {  	[dreg:$0x1] =	wrdreg $0xFFFFFFFF  }
0xad: {  	[dreg:$0x0] =	wrdreg $0x60  }
0xae: {  	[dreg:$0x2] =	wrdreg s2  }
0xaf: {  	[dreg:$0x3] =	wrdreg s24  }
0xb0: {  	[dreg:$0x4] =	wrdreg $0x9  }
0xb1: {  	_ =	task.clear_ibuf [dreg:s7], $0x5FFFF;
	_ =	strace $0x90000046  }
0xb2: {  	s29 =	simm.s32 $0x9;
	_ =	strace $0x80000048  }
0xb3: {  	_ =	swait.ge [sflag:s29], $0x1  }
0xb4: {  	[sflag:s29] =	ssyncadd.s32 $0xFFFFFFFF  }
0xb5: {  	_ =	strace $0x90000048  }
0xb6: {  	_ =	sfence  }
0xb7: {  	s30 =	sld [smem:$0x0];
	_ =	sdelay $0x2  }
0xb8: {  	s31 =	sshll.u32 s1, $0xD;
	s1 =	sshrl.u32 s1, $0x2  }
0xb9: {  	s3 =	sand.u32 $0x4000, s31;
	s1 =	sadd.s32 s1, s30  }
0xba: {  	s0 =	sor.u32 s3, s0;
	s1 =	sshll.u32 s1, $0x11  }
0xbb: {  	s0 =	sor.u32 s1, s0  }
0xbc: {  	s0 =	sadd.s32 $0x8F2B, s0  }
0xbd: {  	[sflag:s0] =	ssyncadd.remote.s32 $0x1  }
0xbe: {  	_ =	sfence.sel $0xFFFF  }
0xbf: {  	[dreg:$0x0] =	wrdreg $0xFFFFFFFF;
	(pc) =	sbr.abs _section_cstart, $3  }
0xc0: {  	[dreg:$0x1] =	wrdreg $0xFFFFFFFF  }
0xc1: {  	_ =	task.clear_ibuf [dreg:s7], $0x2FFFF;
	_ =	strace $0x9FFFFFFF  }
0xc2: {  	(tm) =	ssettm $0x7FFFFFFF  }
0xc3: {  	_ =	shalt  }
tec
execute0_lowered:
.L_overlay_start_1:
0x0: {  	(tag) =	ssettag $0x1  }
0x1: {  	v0 =	vimm.f32 $-1.500000000e+01;
	vm0 =	vcmask $0x300  }
0x2: {  	vm14 =	vcmask $0x704;
	v0 =	vsel vm0, $0x80000000, v0  }
0x3: {  	vm15 =	vcmask $0xB08;
	v0 =	vsel vm14, $0xBF800000, v0  }
0x4: {  	vm4 =	vcmask $0xF0C;
	v0 =	vsel vm15, $0xC0000000, v0  }
0x5: {  	vm5 =	vcmask $0x1310;
	v0 =	vsel vm4, $0xC0400000, v0  }
0x6: {  	s3 =	rddreg [dreg:$0x0];
	vm6 =	vcmask $0x1714;
	v0 =	vsel vm5, $0xC0800000, v0  }
0x7: {  	s4 =	rddreg [dreg:$0x1];
	vm7 =	vcmask $0x1B18;
	v0 =	vsel vm6, $0xC0A00000, v0  }
0x8: {  	s0 =	rddreg [dreg:$0x2];
	vm8 =	vcmask $0x1F1C;
	s2 =	simm.s32 $0x0;
	v0 =	vsel vm7, $0xC0C00000, v0  }
0x9: {  	s5 =	srdreg.scid;
	s1 =	stileid.u32;
	vm9 =	vcmask $0x2320;
	s9 =	simm.s32 $0x8000;
	v0 =	vsel vm8, $0xC0E00000, v0  }
0xa: {  	vm10 =	vcmask $0x2724;
	s10 =	simm.s32 $0x80000;
	s11 =	simm.s32 $0x8800;
	s12 =	simm.s32 $0x0;
	v0 =	vsel vm9, $0xC1000000, v0  }
0xb: {  	vm11 =	vcmask $0x2B28;
	[smem:$0x7FF] =	sst s2;
	s5 =	sand.u32 $0x1, s5;
	s6 =	sshll.u32 s1, $0x1;
	v0 =	vsel vm10, $0xC1100000, v0  }
.Ltmp0:
0xc: {  	vm12 =	vcmask $0x2F2C;
	s6 =	sor.u32 s5, s6;
	s5 =	ssub.s32 $0x2, s5;
	v1 =	vsel vm11, $0xC1200000, v0;
	(pc) =	sbr.rel .LBB2_1-.Ltmp0, $4  }
0xd: {  	vm13 =	vcmask $0x3330;
	_ =	strace $0x80000047;
	s7 =	sshll.u32 s6, $0x4;
	s8 =	sshrl.u32 s5, $0x1;
	v0 =	vlaneseq.u32;
	v1 =	vsel vm12, $0xC1300000, v1  }
0xe: {  	vm14 =	vcmask $0x3734;
	s6 =	sshll.u32 s6, $0x13;
	s4 =	sadd.s32 s7, s4;
	s5 =	ssub.s32 s5, s8;
	v3 =	vmul.u32 $0xFFFFFFFF, v0;
	v2 =	vsel vm13, $0xC1400000, v1  }
0xf: {  	vm15 =	vcmask $0x3B38;
	s3 =	sadd.s32 s3, s6;
	s6 =	simm.s32 $0x80;
	s7 =	simm.s32 $0x400;
	v1 =	vimm.f32 $0.0e+00;
	v4 =	vsel vm14, $0xC1500000, v2  }
0x10: {  	s8 =	simm.s32 $0x1;
	s4 =	sadd.s32 $0x400, s4;
	s5 =	smax.u32 s5, $0x1;
	v2 =	vimm.f32 $1.000000000e+00;
	v3 =	vadd.s32 $0xF, v3;
	v4 =	vsel vm15, $0xC1600000, v4  }
.LBB2_26:
0x11: {  	s12 =	sadd.s32 $0x1, s12  }
0x12: {  	p0 =	sne.s32 s12, s5  }
.Ltmp1:
0x13: {  	_ = 	snop;
	(pc) =	sbr.rel @!p0 .LBB2_27-.Ltmp1, $4  }
0x14: {  	[hbm4b:s4+s2] =	stream.linear.scatter [tilespmem:s11], [sflag:$0x1], $0x80, $0x38;
	[tilespmem:$0x8880] =	vst v63  }
0x15: {  	_ =	swait.ge [sflag:s8], $0x80  }
0x16: {  	[sflag:s8] =	ssyncset.done $0x0  }
0x17: {  	[sflag:s8] =	ssyncadd.s32 $0xFFFFFF80  }
.LBB2_1:
.Ltmp2:
0x18: {  	(pc) =	sbr.rel .LBB2_2-.Ltmp2, $2  }
0x19: {  	_ =	sdelay $0x2  }
0x1a: {  	v5 =	vimm.f32 $0.0e+00;
	s13 =	simm.s32 $0x0  }
.LBB2_25:
0x1b: {  	s14 =	sand.u32 $0xF, s13  }
0x1c: {  	p0 =	sne.s32 s14, $0xF  }
0x1d: {  	v7 =	vmov s14;
	s14 =	sand.u32 @!p0 $0x70, s13;
	s13 =	sadd.s32 $0x1, s13  }
0x1e: {  	p1 =	sne.s32 s13, $0x80  }
.Ltmp3:
0x1f: {  	v6 =	vmov s15;
	(pc) =	sbr.rel @!p1 .LBB2_26-.Ltmp3, $4  }
0x20: {  	v6 =	vbroadcast v6, $0x0  }
0x21: {  	vm0 =	veq.s32 v7, v0  }
0x22: {  	v5 =	vsel vm0, v6, v5  }
0x23: {  	[tilespmem:s14+$0x8800] =	vst @!p0 v5  }
.LBB2_2:
0x24: {  	s14 =	sshll.u32 s13, $0xC  }
0x25: {  	s15 =	sshll.u32 s13, $0x4;
	s14 =	sand.u32 $0x78000, s14  }
0x26: {  	s15 =	sand.u32 $0x70, s15;
	s14 =	sadd.s32 s14, s3  }
0x27: {  	s15 =	sadd.s32 s15, s14;
	s14 =	simm.s32 $0x0  }
0x28: {  	[tilespmem:s14], [sflag:$0x1] =	stream.strided.gather [hbm4b:s15+s6], $0x8000, s7, s6, $0x38;
	[tilespmem:$0x8880] =	vst v63  }
0x29: {  	_ =	swait.ge [sflag:s8], $0x8000  }
0x2a: {  	[sflag:s8] =	ssyncset.done $0x0  }
0x2b: {  	s16 =	simm.s32 $0x0;
	s15 =	simm.s32 $0x40;
	[sflag:s8] =	ssyncadd.s32 $0xFFFF8000  }
.LBB2_3:
0x2c: {  	p0 =	sne.s32 s15, $0xFC0;
	[tilespmem:s16+$0x8000] =	vst v1;
	s16 =	smov.u32 s15;
	s15 =	sadd.s32 $0x40, s15  }
.Ltmp4:
0x2d: {  	(pc) =	sbr.rel @p0 .LBB2_3-.Ltmp4, $2  }
0x2e: {  	_ =	sdelay $0x2  }
0x2f: {  	s16 =	sshra.s32 s16, $0x2  }
0x30: {  	[tilespmem:s16+$0x8000] =	vst v1  }
.LBB2_5:
0x31: {  	s15 =	sshra.s32 s14, $0x2  }
0x32: {  	v6 =	vld [tilespmem:s15+$0x0];
	_ =	sdelay $0x4  }
0x33: {  	p0 =	sne.s32 s14, $0x1FFC0;
	v6 =	vshrl.u32 v6, $0x14  }
.Ltmp5:
0x34: {  	_ = 	snop;
	(pc) =	sbr.rel @p0 .LBB2_5-.Ltmp5, $2  }
0x35: {  	_ =	sdelay $0x2  }
0x36: {  	s14 =	sadd.s32 $0x40, s14;
	[tilespmem:v6+s9+$0x0] =	vst.idx.add.f32.msk $0xffff, v2  }
0x37: {  	s14 =	simm.s32 $0x83F0  }
0x38: {  	v6 =	vld [tilespmem:s14+$0x0];
	_ =	sdelay $0x4  }
0x39: {  	(xrf2) =	vadd.scan.msk.f32 $0xffff, v6;
	_ =	sdelay $0x3  }
0x3a: {  	s28 =	simm.s32 $0x83E0  }
0x3b: {  	s29 =	simm.s32 $0x83D0;
	v7 =	vld [tilespmem:s28+$0x0]  }
0x3c: {  	v8 =	vld [tilespmem:s29+$0x0];
	_ =	sdelay $0x3  }
0x3d: {  	v9, _, _ =	vpop (xrf2);
	(xrf2) =	vadd.scan.msk.f32 $0xffff, v7  }
0x3e: {  	(xrf2) =	vadd.scan.msk.f32 $0xffff, v8;
	_ =	sdelay $0x2  }
0x3f: {  	s30 =	simm.s32 $0x83C0;
	v6 =	vperm.xlane v6, v3;
	(v2sf) =	vpush v9, $0xF  }
0x40: {  	v11 =	vld [tilespmem:s30+$0x0]  }
0x41: {  	(xrf2) =	vadd.scan.msk.f32 $0xffff, v6;
	_ =	sdelay $0x3  }
0x42: {  	s31 =	simm.s32 $0x83B0;
	(xrf2) =	vadd.scan.msk.f32 $0xffff, v11;
	v9, _, _ =	vpop (xrf2)  }
0x43: {  	v12 =	vld [tilespmem:s31+$0x0];
	v10 =	vperm.xlane v7, v3;
	v7, _, _ =	vpop (xrf2);
	(v2sf) =	vpush v9, $0xF  }
0x44: {  	(v2sf) =	vpush v7, $0xF  }
0x45: {  	(xrf2) =	vadd.scan.msk.f32 $0xffff, v10;
	_ =	sdelay $0x1  }
0x46: {  	v9 =	vperm.xlane v8, v3  }
0x47: {  	s19 =	simm.f32 $0.0e+00;
	s20 =	simm.s32 $0x83A0;
	(xrf2) =	vadd.scan.msk.f32 $0xffff, v12;
	v13, _, _ =	vpop (xrf2)  }
0x48: {  	s22 =	simm.s32 $0x3FF;
	v15 =	vadd.f32 s19, v13;
	v13 =	vld [tilespmem:s20+$0x0];
	(xrf2) =	vadd.scan.msk.f32 $0xffff, v9  }
0x49: {  	s18 =	simm.s32 $0x3EF;
	s17 =	simm.s32 $0x3DF;
	s16 =	simm.s32 $0x3CF  }
0x4a: {  	s15 =	simm.s32 $0x3BF;
	s21 =	simm.s32 $0x39F;
	v11 =	vperm.xlane v11, v3;
	v8 =	vimm.f32 $0.0e+00;
	s23 =	spop (v2sf)  }
0x4b: {  	s14 =	simm.s32 $0x3AF;
	s22 =	scvt.s32.f32 s22;
	v14, _, _ =	vpop (xrf2);
	v7 =	vsub.f32 v15, v6;
	vm0 =	vge.f32 v15, $1.280000000e+02;
	v6 =	vimm.f32 $0.0e+00;
	s19 =	sadd.f32 s23, s19  }
.LBB2_7:
0x4c: {  	p0 =	sne.s32 s21, $0xF;
	s20 =	sadd.s32 $0xFFFFFFF0, s20;
	s23 =	smov.u32 s15  }
0x4d: {  	(xrf2) =	vadd.scan.msk.f32 $0xffff, v13;
	vm1 =	vlt.f32 v7, $1.280000000e+02;
	v15 =	vadd.f32 s22, v4;
	v16 =	vmovc v13;
	v17 =	vmov v11;
	s15 =	smov.u32 s14;
	s14 =	smov.u32 s21;
	s21 =	sadd.s32 $0xFFFFFFF0, s21  }
.Ltmp6:
0x4e: {  	v13 =	vld [tilespmem:s20+$0x0];
	(v2sf) =	vpush v14, $0xF;
	v11, _, _ =	vpop (xrf2);
	vm0 =	vmand vm0, vm1;
	(pc) =	sbr.rel @p0 .LBB2_7-.Ltmp6, $4  }
0x4f: {  	v18 =	vadd.f32 s19, v11;
	v11 =	vnsel vm0, $0x0, v15;
	v7 =	vnsel vm0, $0x0, v7  }
0x50: {  	(xrf2) =	vadd.scan.msk.f32 $0xffff, v17;
	v8 =	vadd.f32 v11, v8;
	v6 =	vadd.f32 v7, v6  }
0x51: {  	s22 =	scvt.s32.f32 s18;
	s18 =	smov.u32 s17;
	v11 =	vperm.xlane v12, v3;
	v14, _, _ =	vpop (xrf2);
	v7 =	vsub.f32 v18, v10;
	vm0 =	vge.f32 v18, $1.280000000e+02;
	s24 =	spop (v2sf)  }
0x52: {  	s17 =	smov.u32 s16;
	s16 =	smov.u32 s23;
	v12 =	vmov v16;
	v10 =	vmov v9;
	v9 =	vmov v17;
	s19 =	sadd.f32 s24, s19  }
0x53: {  	_ =	sdelay $0x2  }
0x54: {  	(v2sf) =	vpush v14, $0xF;
	v50, _, _ =	vpop (xrf2)  }
0x55: {  	v15, _, _ =	vpop (xrf2)  }
0x56: {  	(v2sf) =	vpush v15, $0xF;
	_ =	sdelay $0x1  }
0x57: {  	(xrf2) =	vadd.scan.msk.f32 $0xffff, v13  }
0x58: {  	v12 =	vperm.xlane v12, v3;
	(xrf2) =	vadd.scan.msk.f32 $0xffff, v11;
	_ =	sdelay $0x1  }
0x59: {  	v51 =	vperm.xlane v13, v3;
	(xrf2) =	vadd.scan.msk.f32 $0xffff, v12;
	_ =	sdelay $0x1  }
0x5a: {  	(xrf2) =	vadd.scan.msk.f32 $0xffff, v51  }
0x5b: {  	s20 =	spop (v2sf);
	v14 =	vadd.f32 s19, v50  }
0x5c: {  	vm1 =	vlt.f32 v7, $1.280000000e+02;
	s18 =	scvt.s32.f32 s18;
	v16 =	vadd.f32 s22, v4;
	s24 =	sadd.f32 s20, s19  }
0x5d: {  	s17 =	scvt.s32.f32 s17;
	vm0 =	vmand vm0, vm1;
	v10 =	vsub.f32 v14, v10;
	v52, _, _ =	vpop (xrf2)  }
0x5e: {  	v53 =	vadd.f32 s18, v4;
	v16 =	vnsel vm0, $0x0, v16;
	v15 =	vadd.f32 s24, v52;
	s25 =	spop (v2sf)  }
0x5f: {  	v55 =	vadd.f32 s17, v4;
	vm10 =	vge.f32 v14, $1.280000000e+02;
	vm2 =	vlt.f32 v10, $1.280000000e+02;
	v17, _, _ =	vpop (xrf2);
	s18 =	sadd.f32 s25, s24  }
0x60: {  	s16 =	scvt.s32.f32 s16;
	v8 =	vadd.f32 v16, v8;
	vm1 =	vmand vm10, vm2;
	v9 =	vsub.f32 v15, v9;
	v54, _, _ =	vpop (xrf2);
	s26 =	spop (v2sf)  }
0x61: {  	v14 =	vnsel vm1, $0x0, v53;
	vm11 =	vge.f32 v15, $1.280000000e+02;
	v15 =	vadd.f32 s18, v54;
	s28 =	sadd.f32 s26, s18  }
0x62: {  	s15 =	scvt.s32.f32 s15;
	v58 =	vadd.f32 s16, v4;
	v8 =	vadd.f32 v14, v8;
	vm3 =	vlt.f32 v9, $1.280000000e+02;
	v56, _, _ =	vpop (xrf2);
	s29 =	spop (v2sf)  }
0x63: {  	vm2 =	vmand vm11, vm3;
	v11 =	vsub.f32 v15, v11;
	v14 =	vadd.f32 s28, v56;
	s17 =	sadd.f32 s29, s28  }
0x64: {  	v59 =	vadd.f32 s15, v4;
	v16 =	vnsel vm2, $0x0, v55;
	v57, _, _ =	vpop (xrf2);
	vm12 =	vge.f32 v15, $1.280000000e+02  }
0x65: {  	vm4 =	vlt.f32 v11, $1.280000000e+02;
	v12 =	vsub.f32 v14, v12;
	v15 =	vadd.f32 s17, v57  }
0x66: {  	s14 =	scvt.s32.f32 s14;
	v8 =	vadd.f32 v16, v8;
	vm3 =	vmand vm12, vm4;
	vm13 =	vge.f32 v14, $1.280000000e+02  }
0x67: {  	v16 =	vnsel vm3, $0x0, v58;
	vm5 =	vlt.f32 v12, $1.280000000e+02;
	v13 =	vsub.f32 v15, v51  }
0x68: {  	v60 =	vadd.f32 s14, v4;
	v8 =	vadd.f32 v16, v8;
	vm4 =	vmand vm13, vm5  }
0x69: {  	v14 =	vnsel vm4, $0x0, v59;
	vm14 =	vge.f32 v15, $1.280000000e+02;
	vm6 =	vlt.f32 v13, $1.280000000e+02  }
0x6a: {  	v8 =	vadd.f32 v14, v8;
	vm5 =	vmand vm14, vm6  }
0x6b: {  	v61 =	vnsel vm5, $0x0, v60  }
0x6c: {  	v8 =	vadd.f32 v61, v8;
	_ =	sdelay $0x1  }
0x6d: {  	(xrf2) =	vadd.scan.msk.f32 $0xffff, v8;
	_ =	sdelay $0x9  }
0x6e: {  	(v2sf) =	vpush v17, $0xF;
	v8, _, _ =	vpop (xrf2)  }
0x6f: {  	(v2sf) =	vpush v8, $0xF;
	_ =	sdelay $0xb  }
0x70: {  	s30 =	simm.s32 $0x0  }
0x71: {  	v62 =	vld [tilespmem:s30+$0x0]  }
0x72: {  	s31 =	spop (v2sf)  }
0x73: {  	s14 =	spop (v2sf)  }
0x74: {  	s15 =	scvt.f32.s32 s14;
	_ =	sdelay $0x1  }
0x75: {  	v63 =	vshrl.u32 v62, $0x14;
	v8 =	vmov s15  }
0x76: {  	v7 =	vnsel vm0, $0x0, v7;
	vm15 =	veq.s32 v63, v8  }
0x77: {  	v6 =	vadd.f32 v7, v6;
	v7 =	vmpcnt.ones.xlane vm15;
	_ =	sdelay $0x1  }
0x78: {  	v10 =	vnsel vm1, $0x0, v10;
	v7 =	vxor.u32 $0x80000000, v7  }
0x79: {  	v6 =	vadd.f32 v10, v6;
	(xrf0) =	vmax.scan.msk.u32 $0xffff, v7  }
0x7a: {  	v9 =	vnsel vm2, $0x0, v9  }
0x7b: {  	v6 =	vadd.f32 v9, v6  }
0x7c: {  	v7 =	vnsel vm3, $0x0, v11  }
0x7d: {  	v6 =	vadd.f32 v7, v6  }
0x7e: {  	v7 =	vnsel vm4, $0x0, v12  }
0x7f: {  	p0 =	por $0x1, $0x1;
	s18 =	simm.s32 $0x0;
	v6 =	vadd.f32 v7, v6;
	v9, _, _ =	vpop (xrf0)  }
0x80: {  	s18 =	simm.s32 @!p0 $0x3F0;
	v7 =	vnsel vm5, $0x0, v13;
	(v2sf) =	vpush v9, $0xF  }
0x81: {  	s16 =	simm.s32 $0x80;
	s17 =	simm.s32 $0x10;
	s14 =	simm.s32 $0x0;
	[tilespmem:s18+$0x8400] =	vst.msk vm15, v62;
	v6 =	vadd.f32 v7, v6  }
.LBB2_9:
0x82: {  	p0 =	sne.s32 s16, $0x1FFC0;
	v7 =	vld [tilespmem:s17+$0x0];
	_ =	sdelay $0x4  }
0x83: {  	v9 =	vshrl.u32 v7, $0x14  }
0x84: {  	vm0 =	veq.s32 v9, v8  }
0x85: {  	v9 =	vmpcnt.ones.xlane vm0;
	_ =	sdelay $0x1  }
0x86: {  	v9 =	vxor.u32 $0x80000000, v9  }
0x87: {  	(xrf0) =	vmax.scan.msk.u32 $0xffff, v9;
	_ =	sdelay $0x2  }
0x88: {  	s17 =	spop (v2sf)  }
.Ltmp7:
0x89: {  	s14 =	sadd.s32 s17, s14;
	(pc) =	sbr.rel @p0 .LBB2_9-.Ltmp7, $4  }
0x8a: {  	s14 =	sadd.s32 $0x80000000, s14  }
0x8b: {  	p1 =	slt.s32 s14, $0x3F0;
	v9, _, _ =	vpop (xrf0);
	s18 =	smov.u32 s14  }
0x8c: {  	s18 =	simm.s32 @!p1 $0x3F0;
	(v2sf) =	vpush v9, $0xF  }
0x8d: {  	s17 =	sshra.s32 s16, $0x2;
	s16 =	sadd.s32 $0x40, s16;
	[tilespmem:s18+$0x8400] =	vst.msk vm0, v7  }
0x8e: {  	v7 =	vld [tilespmem:s17+$0x0];
	_ =	sdelay $0x4  }
0x8f: {  	v9 =	vshrl.u32 v7, $0x14  }
0x90: {  	vm0 =	veq.s32 v9, v8  }
0x91: {  	v8 =	vmpcnt.ones.xlane vm0;
	_ =	sdelay $0x1  }
0x92: {  	v8 =	vxor.u32 $0x80000000, v8  }
0x93: {  	(xrf0) =	vmax.scan.msk.u32 $0xffff, v8;
	_ =	sdelay $0x5  }
0x94: {  	v8, _, _ =	vpop (xrf0)  }
0x95: {  	(v2sf) =	vpush v8, $0xF  }
0x96: {  	(xrf2) =	vadd.scan.msk.f32 $0xffff, v6;
	_ =	sdelay $0x9  }
0x97: {  	v6, _, _ =	vpop (xrf2)  }
0x98: {  	(v2sf) =	vpush v6, $0xF  }
0x99: {  	s16 =	spop (v2sf)  }
0x9a: {  	s14 =	sadd.s32 s16, s14  }
0x9b: {  	s19 =	sadd.s32 $0x80000000, s14;
	s28 =	spop (v2sf)  }
0x9c: {  	s16 =	sadd.s32 s28, s19  }
0x9d: {  	s17 =	sadd.s32 $0x80000000, s16  }
0x9e: {  	p0 =	slt.s32 s17, $0x400  }
0x9f: {  	p1 =	slt.s32 s17, $0xFFFFFFF2;
	s17 =	simm.s32 @!p0 $0x400  }
0xa0: {  	s29 =	sadd.s32 $0xF, s17  }
0xa1: {  	s18 =	sand.u32 $0xF, s29  }
0xa2: {  	s30 =	sshra.s32 s29, $0x1F;
	p6 =	sne.s32 s18, $0x0  }
.Ltmp8:
0xa3: {  	s18 =	sshrl.u32 s30, $0x1C;
	p0 =	por !p1, !p6;
	(pc) =	sbr.rel .LBB2_11-.Ltmp8, $4  }
0xa4: {  	s16 =	sadd.s32 s18, s29;
	s18 =	simm.s32 $0x1;
	p0 =	por !p0, !p0  }
0xa5: {  	p1 =	slt.s32 s19, $0x3F0;
	s31 =	sshra.s32 s16, $0x4;
	s18 =	simm.s32 @!p0 $0x0  }
0xa6: {  	s15 =	sshll.u32 s15, $0x14;
	s19 =	simm.s32 @!p1 $0x3F0;
	s14 =	ssub.s32 s31, s18  }
0xa7: {  	v6 =	vmov s17;
	s17 =	simm.s32 $0x0;
	s16 =	spop (v2sf);
	[tilespmem:s19+$0x8400] =	vst.msk vm0, v7;
	p0 =	slt.s32 s14, $0x1  }
.LBB2_13:
0xa8: {  	s19 =	smov.u32 s16  }
.LBB2_23:
0xa9: {  	vm0 =	vmand vm0, vm1  }
0xaa: {  	v7 =	vsel vm0, $0x3F800000, v1  }
0xab: {  	(xrf2) =	vadd.scan.msk.f32 $0xffff, v7;
	_ =	sdelay $0x3  }
0xac: {  	v7, _, _ =	vpop @p2 (xrf2)  }
0xad: {  	(v2sf) =	vpush @p2 v7, $0xF;
	_ =	sdelay $0x1  }
0xae: {  	v7, _, _ =	vpop @p1 (xrf2)  }
0xaf: {  	(v2sf) =	vpush @p1 v7, $0xF;
	_ =	sdelay $0x1  }
0xb0: {  	v7, _, _ =	vpop (xrf2)  }
0xb1: {  	(v2sf) =	vpush v7, $0xF;
	_ =	sdelay $0x2  }
0xb2: {  	s20 =	spop @p4 (v2sf)  }
0xb3: {  	s19 =	sadd.f32 @p4 s20, s19  }
0xb4: {  	s20 =	smov.u32 s16  }
0xb5: {  	s20 =	smov.u32 @p4 s19;
	s19 =	spop @p3 (v2sf)  }
0xb6: {  	s19 =	sadd.f32 @p3 s19, s20  }
0xb7: {  	s20 =	smov.u32 s16  }
0xb8: {  	s20 =	smov.u32 @p3 s19;
	s19 =	spop @p2 (v2sf)  }
0xb9: {  	s19 =	sadd.f32 @p2 s19, s20  }
0xba: {  	s20 =	smov.u32 s16  }
0xbb: {  	s20 =	smov.u32 @p2 s19;
	s19 =	spop @p1 (v2sf)  }
0xbc: {  	s19 =	sadd.f32 @p1 s19, s20  }
0xbd: {  	s20 =	smov.u32 s16  }
0xbe: {  	s20 =	smov.u32 @p1 s19;
	s31 =	spop (v2sf)  }
0xbf: {  	s19 =	sadd.f32 s31, s20  }
.LBB2_24:
0xc0: {  	s17 =	sadd.s32 $0x1, s17  }
0xc1: {  	p2 =	sne.s32 s17, $0x14  }
.Ltmp9:
0xc2: {  	_ = 	snop;
	(pc) =	sbr.rel @!p2 .LBB2_25-.Ltmp9, $3  }
0xc3: {  	_ = 	snop  }
0xc4: {  	p1 =	sge.f32 s19, $1.280000000e+02;
	_ =	sdelay $0x1  }
0xc5: {  	s15 =	smov.u32 @p1 s18  }
.LBB2_11:
.Ltmp10:
0xc6: {  	(pc) =	sbr.rel @p0 .LBB2_24-.Ltmp10, $3  }
0xc7: {  	_ =	sdelay $0x1  }
0xc8: {  	s18 =	sshrl.u32 s10, s17  }
0xc9: {  	s19 =	smov.u32 s16;
	s18 =	sor.u32 s18, s15  }
0xca: {  	s19 =	simm.s32 $0x8400  }
0xcb: {  	p5 =	sne.s32 s14, $0x1;
	v8 =	vld [tilespmem:s19+$0x0]  }
.Ltmp11:
0xcc: {  	_ = 	snop;
	(pc) =	sbr.rel @!p5 .LBB2_13-.Ltmp11, $4  }
0xcd: {  	_ = 	snop  }
0xce: {  	s20 =	simm.s32 $0x0  }
0xcf: {  	v7 =	vmov s18;
	p1 =	por $0x0, $0x0;
	p2 =	por $0x0, $0x0;
	p3 =	por $0x0, $0x0;
	v9 =	vor.u32 s20, v0  }
0xd0: {  	p4 =	por $0x0, $0x0;
	s19 =	sadd.s32 $0xFFFFFFFF, s14;
	s20 =	simm.s32 $0x8410;
	vm0 =	vlt.s32 v9, v6;
	vm1 =	vge.s32 v8, v7  }
0xd1: {  	v8 =	vld [tilespmem:s20+$0x0];
	vm0 =	vmand vm0, vm1;
	p5 =	sne.s32 s19, $0x1  }
.Ltmp12:
0xd2: {  	v9 =	vsel vm0, $0x3F800000, v1;
	(pc) =	sbr.rel @!p5 .LBB2_15-.Ltmp12, $4  }
0xd3: {  	(xrf2) =	vadd.scan.msk.f32 $0xffff, v9  }
0xd4: {  	s31 =	simm.s32 $0x10  }
0xd5: {  	v10 =	vor.u32 s31, v0  }
0xd6: {  	s19 =	sadd.s32 $0xFFFFFFFF, s19;
	s20 =	simm.s32 $0x8420;
	p1 =	por $0x1, $0x1;
	vm0 =	vlt.s32 v10, v6;
	vm1 =	vge.s32 v8, v7  }
0xd7: {  	v8 =	vld [tilespmem:s20+$0x0];
	p5 =	sne.s32 s19, $0x1  }
.Ltmp13:
0xd8: {  	_ = 	snop;
	(pc) =	sbr.rel @!p5 .LBB2_17-.Ltmp13, $4  }
0xd9: {  	_ = 	snop  }
0xda: {  	vm0 =	vmand vm0, vm1;
	s31 =	simm.s32 $0x20  }
0xdb: {  	v9 =	vsel vm0, $0x3F800000, v1;
	v10 =	vor.u32 s31, v0  }
0xdc: {  	s19 =	sadd.s32 $0xFFFFFFFF, s19;
	s20 =	simm.s32 $0x8430;
	p2 =	por $0x1, $0x1;
	(xrf2) =	vadd.scan.msk.f32 $0xffff, v9;
	vm0 =	vlt.s32 v10, v6;
	vm1 =	vge.s32 v8, v7  }
0xdd: {  	vm0 =	vmand vm0, vm1;
	v9, _, _ =	vpop (xrf2)  }
0xde: {  	v10 =	vsel vm0, $0x3F800000, v1;
	(v2sf) =	vpush v9, $0xF  }
0xdf: {  	(xrf2) =	vadd.scan.msk.f32 $0xffff, v10;
	_ =	sdelay $0x3  }
0xe0: {  	v8 =	vld [tilespmem:s20+$0x0];
	p5 =	sne.s32 s19, $0x1  }
.Ltmp14:
0xe1: {  	_ = 	snop;
	(pc) =	sbr.rel @!p5 .LBB2_19-.Ltmp14, $4  }
0xe2: {  	_ = 	snop  }
0xe3: {  	s31 =	simm.s32 $0x30  }
0xe4: {  	v11 =	vor.u32 s31, v0  }
0xe5: {  	s19 =	sadd.s32 $0xFFFFFFFF, s19;
	s20 =	simm.s32 $0x8440;
	p3 =	por $0x1, $0x1;
	vm0 =	vlt.s32 v11, v6;
	vm1 =	vge.s32 v8, v7  }
0xe6: {  	v8 =	vld [tilespmem:s20+$0x0];
	p5 =	sne.s32 s19, $0x1;
	v9, _, _ =	vpop (xrf2)  }
.Ltmp15:
0xe7: {  	(v2sf) =	vpush v9, $0xF;
	(pc) =	sbr.rel @!p5 .LBB2_21-.Ltmp15, $4  }
0xe8: {  	_ = 	snop  }
0xe9: {  	vm0 =	vmand vm0, vm1;
	s20 =	simm.s32 $0x40  }
0xea: {  	s21 =	sadd.s32 $0xFFFFFFFF, s19;
	v10 =	vsel vm0, $0x3F800000, v1;
	v11 =	vor.u32 s20, v0  }
0xeb: {  	s22 =	simm.s32 $0x8450;
	p4 =	por $0x1, $0x1;
	s19 =	smov.u32 s16;
	(xrf2) =	vadd.scan.msk.f32 $0xffff, v10;
	vm0 =	vlt.s32 v11, v6;
	vm1 =	vge.s32 v8, v7  }
.LBB2_22:
0xec: {  	v8 =	vld [tilespmem:s22+$0x0];
	p5 =	sne.s32 s21, $0x1;
	s21 =	sadd.s32 $0xFFFFFFFF, s21;
	vm0 =	vmand vm0, vm1;
	v9, _, _ =	vpop (xrf2)  }
.Ltmp16:
0xed: {  	v10 =	vsel vm0, $0x3F800000, v1;
	(v2sf) =	vpush v9, $0xF;
	(pc) =	sbr.rel @p5 .LBB2_22-.Ltmp16, $4  }
0xee: {  	(xrf2) =	vadd.scan.msk.f32 $0xffff, v10  }
0xef: {  	s20 =	sadd.s32 $0x10, s20  }
0xf0: {  	v9 =	vor.u32 s20, v0;
	s23 =	spop (v2sf)  }
0xf1: {  	s22 =	sadd.s32 $0x10, s22;
	vm0 =	vlt.s32 v9, v6;
	vm1 =	vge.s32 v8, v7;
	s19 =	sadd.f32 s23, s19  }
.Ltmp17:
0xf2: {  	_ = 	snop;
	(pc) =	sbr.rel .LBB2_23-.Ltmp17, $1  }
0xf3: {  	_ =	sdelay $0x3  }
.LBB2_15:
.Ltmp18:
0xf4: {  	(pc) =	sbr.rel .LBB2_23-.Ltmp18, $2  }
0xf5: {  	_ =	sdelay $0x2  }
0xf6: {  	s19 =	smov.u32 s16  }
.LBB2_17:
.Ltmp19:
0xf7: {  	(pc) =	sbr.rel .LBB2_23-.Ltmp19, $2  }
0xf8: {  	_ =	sdelay $0x2  }
0xf9: {  	s19 =	smov.u32 s16  }
.LBB2_19:
.Ltmp20:
0xfa: {  	(pc) =	sbr.rel .LBB2_23-.Ltmp20, $2  }
0xfb: {  	_ =	sdelay $0x2  }
0xfc: {  	s19 =	smov.u32 s16  }
.LBB2_21:
.Ltmp21:
0xfd: {  	(pc) =	sbr.rel .LBB2_23-.Ltmp21, $2  }
0xfe: {  	_ =	sdelay $0x2  }
0xff: {  	s19 =	smov.u32 s16  }
.LBB2_27:
0x100: {  	_ =	sfence.sel $0x180000  }
0x101: {  	[bflag:$0x0] =	sbarrier.arrive $0xFFFF  }
0x102: {  	p0 =	sne.s32 s1, $0x0;
	_ =	strace $0x90000047  }
0x103: {  	s0 =	sadd.s32 @!p0 $0x100000, s0;
	[bflag:$0x2] =	sbarrier.arrive $0xFFFF  }
0x104: {  	[sflag:s0] =	ssyncadd.tile.s32 @!p0 $0x1;
	_ =	shalt  }
.Lfunc_end2:
_tile_overlayer_lowered:
.L_overlay_start_2:
0x105: {  	(tag) =	ssettag $0x2  }
0x106: {  	s0 =	rddreg [dreg:$0x0];
	s2 =	stileid.u32  }
0x107: {  	s1 =	rddreg [dreg:$0x1];
	p0 =	sne.s32 s2, $0x0  }
0x108: {  	s3 =	rddreg [dreg:$0x2];
	[bflag:$0x3] =	sbarrier.arrive $0xFFFF;
	s2 =	simm.s32 @!p0 $0x1C01  }
0x109: {  	[timem:s3], [sflag:s2] =	dma.local @!p0 [hbm:s0], s1  }
0x10a: {  	s0 =	simm.s32 @!p0 $0x1  }
0x10b: {  	_ =	swait.ge @!p0 [sflag:s0], s1  }
0x10c: {  	s1 =	ssub.s32 @!p0 $0x0, s1;
	[sflag:s0] =	ssyncset.done @!p0 $0x0  }
0x10d: {  	[sflag:s0] =	ssyncadd.s32 @!p0 s1  }
0x10e: {  	[bflag:$0x3] =	sbarrier.arrive $0xFFFF  }
0x10f: {  	_ =	shalt  }

</sc_bundles>
